<compile_context>
chip_gen: v7x
topology: tpu7x:2x2x1
jax: 0.10.2.dev20260603
libtpu: 0.0.44.dev20260713+nightly
codegen_flags: <defaults>
</compile_context>

<pallas_src>
import functools
import math

import jax
import jax.numpy as jnp
from jax import lax
from jax.experimental import pallas as pl
from jax.experimental.pallas import tpu as pltpu
from jax.experimental.pallas import tpu_sc as plsc

N = 100000
NODE_DIM = 128
HID = 64
N_1E_IN = 64
N_1E_HID = 32
NUM_SEG = 512

ROWS_BLK = 5120
CHUNK = 128
ACC_W = 8


_TDIMS = (((0,), (0,)), ((), ()))


def _tc_body(xs_ref, spa_ref, spb_ref, spc_ref,
             ws1_ref, bs1_ref, w2r_ref, bs2_ref,
             w1a_ref, w1b_ref, w1c_ref, t_ref, e_ref, w2e_ref,
             out_ref):
    f32 = jnp.float32
    h1 = lax.dot_general(ws1_ref[...], xs_ref[...],
                         (((0,), (1,)), ((), ())), preferred_element_type=f32)
    h1 = h1 + bs1_ref[...]
    h1 = h1 * jax.nn.sigmoid(h1)
    s = jnp.sum(h1 * w2r_ref[...], axis=0, keepdims=True) + bs2_ref[...]
    h = (lax.dot_general(w1a_ref[...], spa_ref[...], _TDIMS, preferred_element_type=f32)
         + lax.dot_general(w1b_ref[...], spb_ref[...], _TDIMS, preferred_element_type=f32)
         + lax.dot_general(w1c_ref[...], spc_ref[...], _TDIMS, preferred_element_type=f32))
    nrm2 = lax.dot_general(t_ref[...], h * h, _TDIMS, preferred_element_type=f32)
    gate = jax.nn.sigmoid(jnp.sqrt(nrm2 + 1e-12))
    hg = h * lax.dot_general(e_ref[...], gate, _TDIMS, preferred_element_type=f32)
    sph = lax.dot_general(w2e_ref[...], hg, _TDIMS, preferred_element_type=f32)
    atom = sph * s
    col = pl.program_id(0) * ROWS_BLK + lax.broadcasted_iota(jnp.int32, (1, ROWS_BLK), 1)
    out_ref[...] = jnp.where(col < N, atom, 0.0)


def _atom_rows(x_scalar, x_sph_t, consts, n_pad):
    (ws1, bs1, w2r, bs2, w1a, w1b, w1c, t_mat, e_mat, w2e) = consts
    nb = n_pad // ROWS_BLK
    last = (N + ROWS_BLK - 1) // ROWS_BLK - 1

    def rows(i):
        return (jnp.minimum(i, last), 0)

    def fixed(i):
        return (0, 0)

    def sph_row(k):
        return lambda i: (k, jnp.minimum(i, last))

    return pl.pallas_call(
        _tc_body,
        grid=(nb,),
        in_specs=[
            pl.BlockSpec((ROWS_BLK, NODE_DIM), rows),
            pl.BlockSpec((64, ROWS_BLK), sph_row(2)),
            pl.BlockSpec((64, ROWS_BLK), sph_row(3)),
            pl.BlockSpec((64, ROWS_BLK), sph_row(4)),
            pl.BlockSpec((NODE_DIM, HID), fixed),
            pl.BlockSpec((HID, 1), fixed),
            pl.BlockSpec((HID, 1), fixed),
            pl.BlockSpec((1, 1), fixed),
            pl.BlockSpec((64, 96), fixed),
            pl.BlockSpec((64, 96), fixed),
            pl.BlockSpec((64, 96), fixed),
            pl.BlockSpec((96, 32), fixed),
            pl.BlockSpec((32, 96), fixed),
            pl.BlockSpec((96, ACC_W), fixed),
        ],
        out_specs=pl.BlockSpec((ACC_W, ROWS_BLK), lambda i: (0, i)),
        out_shape=jax.ShapeDtypeStruct((ACC_W, n_pad), jnp.float32),
    )(x_scalar, x_sph_t, x_sph_t, x_sph_t,
      ws1, bs1, w2r, bs2, w1a, w1b, w1c, t_mat, e_mat, w2e)


def _segment_sum_sc(atom_pad, idx2d, zeros, n_pad):
    info = plsc.get_sparse_core_info()
    nc, ns = info.num_cores, info.num_subcores
    nw = nc * ns
    n_chunks = n_pad // CHUNK
    cpw = n_chunks // nw
    rows_pw = cpw * CHUNK
    idx3d = idx2d.reshape(nw, cpw, CHUNK)
    mesh = plsc.VectorSubcoreMesh(core_axis_name="c", subcore_axis_name="s")

    @functools.partial(
        pl.kernel,
        mesh=mesh,
        compiler_params=pltpu.CompilerParams(use_tc_tiling_on_sc=False),
        out_type=jax.ShapeDtypeStruct((nc, NUM_SEG, ACC_W), jnp.float32),
        scratch_types=[
            pltpu.VMEM((rows_pw, ACC_W), jnp.float32),
            pltpu.VMEM((cpw, CHUNK), jnp.int32),
            pltpu.VMEM_SHARED((NUM_SEG, ACC_W), jnp.float32),
        ],
    )
    def seg_kernel(atom_hbm, idx_hbm, zeros_hbm, out_hbm, rows_v, idx_v, acc):
        c = lax.axis_index("c")
        s = lax.axis_index("s")
        wid = s * nc + c
        base_chunk = wid * cpw
        pltpu.sync_copy(atom_hbm.at[pl.ds(base_chunk * CHUNK, rows_pw)], rows_v)
        pltpu.sync_copy(idx_hbm.at[wid], idx_v)

        @pl.when(s == 0)
        def _init():
            pltpu.sync_copy(zeros_hbm, acc)

        plsc.subcore_barrier()

        def body(j, carry):
            pltpu.sync_copy(rows_v.at[pl.ds(j * CHUNK, CHUNK)],
                            acc.at[idx_v.at[j]], add=True)
            return carry

        lax.fori_loop(0, cpw, body, 0)
        plsc.subcore_barrier()

        @pl.when(s == 0)
        def _out():
            pltpu.sync_copy(acc, out_hbm.at[c])

    return seg_kernel(atom_pad, idx3d, zeros)


def kernel(x_scalar, x_spherical, coord, batch_index,
           W_s1, b_s1, W_s2, b_s2, W_sph1, W_sph2):
    f32 = jnp.float32
    n_pad = -(-N // 4096) * 4096

    i3 = jnp.eye(3, dtype=f32)
    w1e = (W_sph1[:, None, :, None] * i3[None, :, None, :]).reshape(192, 96)
    w1e = w1e * (1.0 / math.sqrt(float(N_1E_IN)))
    w1a, w1b, w1c = w1e[0:64], w1e[64:128], w1e[128:192]
    t_mat = jnp.repeat(jnp.eye(32, dtype=f32), 3, axis=0)
    e_mat = t_mat.T
    m3 = (jnp.arange(3)[:, None] == jnp.array([2, 0, 1])[None, :]).astype(f32)
    w2e = (W_sph2[:, 0][:, None, None] * m3[None]).reshape(96, 3)
    w2e = w2e * (1.0 / math.sqrt(float(N_1E_HID)))
    w2e = jnp.concatenate([w2e, jnp.zeros((96, ACC_W - 3), f32)], axis=1)

    consts = (W_s1, b_s1.reshape(HID, 1), W_s2,
              b_s2.reshape(1, 1), w1a, w1b, w1c, t_mat, e_mat, w2e)

    atom_t = _atom_rows(x_scalar, x_spherical.T, consts, n_pad)
    atom_pad = atom_t.T

    bi = batch_index.astype(jnp.int32)
    bi_pad = jnp.concatenate([bi, jnp.zeros((n_pad - N,), jnp.int32)])
    idx2d = bi_pad.reshape(n_pad // CHUNK, CHUNK)
    zeros = jnp.zeros((NUM_SEG, ACC_W), f32)

    partials = _segment_sum_sc(atom_pad, idx2d, zeros, n_pad)
    return (partials[0] + partials[1])[:, :3]

# --- scband reference (transcript-rebuilt; emitter-appended) ---
"""Pipeline reference for scband-vector-out-13185549598888 (READ-ONLY COPY).

The authoritative reference and input builder live on the scoring server;
editing this copy changes nothing except your own understanding.
"""

import jax, jax.numpy as jnp
import numpy as np
import math

N = 100000
NODE_DIM = 128
HID = 64
SPH_DIM = 480  # 128x0e + 64x1e + 32x2e
N_1E_IN = 64
N_1E_HID = 32
NUM_SEG = 512

def setup_inputs(seed: int = 0) -> dict:
    key = jax.random.key(seed)
    ks = jax.random.split(key, 8)
    x_scalar = jax.random.normal(ks[0], (N, NODE_DIM), dtype=jnp.float32)
    x_spherical = jax.random.normal(ks[1], (N, SPH_DIM), dtype=jnp.float32)
    coord = jax.random.normal(ks[2], (N, 3), dtype=jnp.float32)
    batch_index = jnp.sort(jax.random.randint(ks[3], (N,), 0, NUM_SEG, dtype=jnp.int64))
    # scalar_out_mlp: Linear(128->64), silu, Linear(64->1); biases init zero
    W_s1 = jax.random.normal(ks[4], (NODE_DIM, HID), dtype=jnp.float32) / math.sqrt(NODE_DIM)
    b_s1 = jnp.zeros((HID,), dtype=jnp.float32)
    W_s2 = jax.random.normal(ks[5], (HID, 1), dtype=jnp.float32) / math.sqrt(HID)
    b_s2 = jnp.zeros((1,), dtype=jnp.float32)
    # spherical_out_mlp: o3.Linear(64x1e->32x1e), Gate(sigmoid), o3.Linear(32x1e->1x1e)
    W_sph1 = jax.random.normal(ks[6], (N_1E_IN, N_1E_HID), dtype=jnp.float32)
    W_sph2 = jax.random.normal(ks[7], (N_1E_HID, 1), dtype=jnp.float32)
    return {"x_scalar": x_scalar, "x_spherical": x_spherical, "coord": coord,
            "batch_index": batch_index, "W_s1": W_s1, "b_s1": b_s1,
            "W_s2": W_s2, "b_s2": b_s2, "W_sph1": W_sph1, "W_sph2": W_sph2}

def reference(x_scalar, x_spherical, coord, batch_index, W_s1, b_s1, W_s2, b_s2, W_sph1, W_sph2):
    # --- spherical branch ---
    # only the 1e block (64 channels, dims 128:128+192) connects to 32x1e output
    x1e = x_spherical[:, 128:128 + N_1E_IN * 3].reshape(-1, N_1E_IN, 3)
    # o3.Linear with fan-in normalization
    h = jnp.einsum('nim,io->nom', x1e, W_sph1) / jnp.sqrt(float(N_1E_IN))
    # Gate: sigmoid of per-channel invariant (norm) multiplies the vector channel
    nrm = jnp.sqrt(jnp.sum(h * h, axis=-1) + 1e-12)
    gate = jax.nn.sigmoid(nrm)
    h = h * gate[..., None]
    out1e = jnp.einsum('nim,io->nom', h, W_sph2) / jnp.sqrt(float(N_1E_HID))
    sph = out1e[:, 0, :]  # [N, 3] in e3nn (y, z, x) order
    spherical_out = sph[:, jnp.array([2, 0, 1])]  # reorder [:, [2,0,1]] -> (x, y, z)
    # --- scalar branch ---
    s = jax.nn.silu(x_scalar @ W_s1 + b_s1) @ W_s2 + b_s2  # [N, 1]
    atom_out = spherical_out * s  # [N, 3]
    # --- segment reduce (scatter sum over batch_index) ---
    res = jax.ops.segment_sum(atom_out, batch_index, num_segments=NUM_SEG)
    return res

if __name__ == "__main__":
    import jax
    _d = setup_inputs()
    print(jax.jit(kernel)(*tuple(_d.values())))

</pallas_src>

<mosaic_0001>
#map = affine_map<(d0, d1) -> (0, 0)>
#map1 = affine_map<(d0, d1) -> (0, 0, 0)>
module attributes {stable_mosaic.version = 14 : i64} {
  func.func @seg_kernel(%arg0: i32, %arg1: i32, %arg2: memref<102400x8xf32, #tpu.memory_space<hbm>>, %arg3: memref<32x25x128xi32, #tpu.memory_space<hbm>>, %arg4: memref<512x8xf32, #tpu.memory_space<hbm>>, %arg5: memref<2x512x8xf32, #tpu.memory_space<hbm>>, %arg6: memref<3200x8xf32, #tpu.memory_space<vmem>>, %arg7: memref<25x128xi32, #tpu.memory_space<vmem>>, %arg8: memref<512x8xf32, #tpu.memory_space<vmem_shared>>) attributes {dimension_semantics = [#tpu.dimension_semantics<core_parallel>, #tpu.dimension_semantics<subcore_parallel>], iteration_bounds = array<i64: 2, 16>, scalar_prefetch = 0 : i64, scratch_operands = 3 : i64, tpu.core_type = #tpu.core_type<sc_vector_subcore>, window_params = [{transform_indices = #map}, {transform_indices = #map1}, {transform_indices = #map}, {transform_indices = #map1}]} {
    %mul3A = arith.constant 2 : i32
    %mul3A_0 = arith.muli %arg1, %mul3A : i32
    %add3A = arith.addi %mul3A_0, %arg0 : i32
    %mul3A_1 = arith.constant 25 : i32
    %mul3A_2 = arith.muli %add3A, %mul3A_1 : i32
    %mul3A_3 = arith.constant 128 : i32
    %mul3A_4 = arith.muli %mul3A_2, %mul3A_3 : i32
    "tpu.region"() ({
      %run_scoped3A = tpu.sem_alloc : memref<!tpu.dma_semaphore, #tpu.memory_space<semaphore_mem>>
      %dma_start3A = arith.constant 0 : i32
      %dma_start3A_18 = tpu.memref_slice %arg2[%mul3A_4, %dma_start3A] : memref<102400x8xf32, #tpu.memory_space<hbm>> -> memref<3200x8xf32, #tpu.memory_space<hbm>>
      %dma_start3A_19 = arith.constant 0 : i32
      %dma_start3A_20 = tpu.memref_slice %arg2[%mul3A_4, %dma_start3A_19] : memref<102400x8xf32, #tpu.memory_space<hbm>> -> memref<3200x8xf32, #tpu.memory_space<hbm>>
      tpu.enqueue_dma source(%dma_start3A_20 : memref<3200x8xf32, #tpu.memory_space<hbm>>) target(%arg6 : memref<3200x8xf32, #tpu.memory_space<vmem>>) target_semaphore(%run_scoped3A : memref<!tpu.dma_semaphore, #tpu.memory_space<semaphore_mem>>)
      %dma_wait3A = arith.constant 0 : i32
      %dma_wait3A_21 = tpu.memref_slice %arg2[%mul3A_4, %dma_wait3A] : memref<102400x8xf32, #tpu.memory_space<hbm>> -> memref<3200x8xf32, #tpu.memory_space<hbm>>
      %dma_wait3A_22 = arith.constant 0 : i32
      %dma_wait3A_23 = tpu.memref_slice %arg2[%mul3A_4, %dma_wait3A_22] : memref<102400x8xf32, #tpu.memory_space<hbm>> -> memref<3200x8xf32, #tpu.memory_space<hbm>>
      tpu.wait_dma2 semaphore(%run_scoped3A : memref<!tpu.dma_semaphore, #tpu.memory_space<semaphore_mem>>) src(%dma_wait3A_23 : memref<3200x8xf32, #tpu.memory_space<hbm>>) dst(%arg6 : memref<3200x8xf32, #tpu.memory_space<vmem>>)
      tpu.yield
    }) : () -> ()
    "tpu.region"() ({
      %run_scoped3A = tpu.sem_alloc : memref<!tpu.dma_semaphore, #tpu.memory_space<semaphore_mem>>
      %dma_start3A = arith.constant 0 : i32
      %dma_start3A_18 = arith.constant 0 : i32
      %dma_start3A_19 = tpu.memref_slice %arg3[%add3A, %dma_start3A, %dma_start3A_18] : memref<32x25x128xi32, #tpu.memory_space<hbm>> -> memref<1x25x128xi32, #tpu.memory_space<hbm>>
      %dma_start3A_20 = tpu.memref_squeeze %dma_start3A_19 : memref<1x25x128xi32, #tpu.memory_space<hbm>> -> memref<25x128xi32, #tpu.memory_space<hbm>>
      %dma_start3A_21 = arith.constant 0 : i32
      %dma_start3A_22 = arith.constant 0 : i32
      %dma_start3A_23 = tpu.memref_slice %arg3[%add3A, %dma_start3A_21, %dma_start3A_22] : memref<32x25x128xi32, #tpu.memory_space<hbm>> -> memref<1x25x128xi32, #tpu.memory_space<hbm>>
      %dma_start3A_24 = tpu.memref_squeeze %dma_start3A_23 : memref<1x25x128xi32, #tpu.memory_space<hbm>> -> memref<25x128xi32, #tpu.memory_space<hbm>>
      tpu.enqueue_dma source(%dma_start3A_24 : memref<25x128xi32, #tpu.memory_space<hbm>>) target(%arg7 : memref<25x128xi32, #tpu.memory_space<vmem>>) target_semaphore(%run_scoped3A : memref<!tpu.dma_semaphore, #tpu.memory_space<semaphore_mem>>)
      %dma_wait3A = arith.constant 0 : i32
      %dma_wait3A_25 = arith.constant 0 : i32
      %dma_wait3A_26 = tpu.memref_slice %arg3[%add3A, %dma_wait3A, %dma_wait3A_25] : memref<32x25x128xi32, #tpu.memory_space<hbm>> -> memref<1x25x128xi32, #tpu.memory_space<hbm>>
      %dma_wait3A_27 = tpu.memref_squeeze %dma_wait3A_26 : memref<1x25x128xi32, #tpu.memory_space<hbm>> -> memref<25x128xi32, #tpu.memory_space<hbm>>
      %dma_wait3A_28 = arith.constant 0 : i32
      %dma_wait3A_29 = arith.constant 0 : i32
      %dma_wait3A_30 = tpu.memref_slice %arg3[%add3A, %dma_wait3A_28, %dma_wait3A_29] : memref<32x25x128xi32, #tpu.memory_space<hbm>> -> memref<1x25x128xi32, #tpu.memory_space<hbm>>
      %dma_wait3A_31 = tpu.memref_squeeze %dma_wait3A_30 : memref<1x25x128xi32, #tpu.memory_space<hbm>> -> memref<25x128xi32, #tpu.memory_space<hbm>>
      tpu.wait_dma2 semaphore(%run_scoped3A : memref<!tpu.dma_semaphore, #tpu.memory_space<semaphore_mem>>) src(%dma_wait3A_31 : memref<25x128xi32, #tpu.memory_space<hbm>>) dst(%arg7 : memref<25x128xi32, #tpu.memory_space<vmem>>)
      tpu.yield
    }) : () -> ()
    %eq3A = arith.constant 0 : i32
    %eq3A_5 = arith.cmpi eq, %arg1, %eq3A : i32
    %convert_element_type3A = arith.extui %eq3A_5 : i1 to i32
    %cond3A = arith.constant 0 : i32
    %cond3A_6 = arith.cmpi ne, %convert_element_type3A, %cond3A : i32
    scf.if %cond3A_6 {
      "tpu.region"() ({
        %run_scoped3A = tpu.sem_alloc : memref<!tpu.dma_semaphore, #tpu.memory_space<semaphore_mem>>
        tpu.enqueue_dma source(%arg4 : memref<512x8xf32, #tpu.memory_space<hbm>>) target(%arg8 : memref<512x8xf32, #tpu.memory_space<vmem_shared>>) target_semaphore(%run_scoped3A : memref<!tpu.dma_semaphore, #tpu.memory_space<semaphore_mem>>)
        tpu.wait_dma2 semaphore(%run_scoped3A : memref<!tpu.dma_semaphore, #tpu.memory_space<semaphore_mem>>) src(%arg4 : memref<512x8xf32, #tpu.memory_space<hbm>>) dst(%arg8 : memref<512x8xf32, #tpu.memory_space<vmem_shared>>)
        tpu.yield
      }) : () -> ()
    } else {
    }
    %barrier3A = arith.constant 0 : index
    tpu.barrier barrier_id(%barrier3A)
    %scan3A = arith.constant 0 : i32
    %scan3A_7 = arith.constant 0 : i32
    %scan3A_8 = arith.constant 25 : i32
    %scan3A_9 = arith.addi %scan3A_7, %scan3A_8 : i32
    %scan3A_10 = arith.constant 1 : i32
    scf.for %scan3A_18 = %scan3A_7 to %scan3A_9 step %scan3A_10  : i32 {
      %mul3A_19 = arith.constant 128 : i32
      %mul3A_20 = arith.muli %scan3A_18, %mul3A_19 : i32
      "tpu.region"() ({
        %run_scoped3A = tpu.sem_alloc : memref<!tpu.dma_semaphore, #tpu.memory_space<semaphore_mem>>
        %dma_start3A = arith.constant 0 : i32
        %dma_start3A_21 = tpu.memref_slice %arg6[%mul3A_20, %dma_start3A] : memref<3200x8xf32, #tpu.memory_space<vmem>> -> memref<128x8xf32, #tpu.memory_space<vmem>>
        %dma_start3A_22 = arith.constant 0 : i32
        %dma_start3A_23 = tpu.memref_slice %arg7[%scan3A_18, %dma_start3A_22] : memref<25x128xi32, #tpu.memory_space<vmem>> -> memref<1x128xi32, #tpu.memory_space<vmem>>
        %dma_start3A_24 = tpu.memref_squeeze %dma_start3A_23 : memref<1x128xi32, #tpu.memory_space<vmem>> -> memref<128xi32, #tpu.memory_space<vmem>>
        %dma_start3A_25 = arith.constant 0 : i32
        %dma_start3A_26 = arith.constant 0 : i32
        %dma_start3A_27 = tpu.memref_slice %arg8[%dma_start3A_25, %dma_start3A_26] : memref<512x8xf32, #tpu.memory_space<vmem_shared>> -> memref<512x8xf32, #tpu.memory_space<vmem_shared>>
        tpu.enqueue_indirect_dma source(%dma_start3A_21 : memref<128x8xf32, #tpu.memory_space<vmem>>) target(%dma_start3A_27 : memref<512x8xf32, #tpu.memory_space<vmem_shared>>) offsets(%dma_start3A_24 : memref<128xi32, #tpu.memory_space<vmem>>) semaphore(%run_scoped3A : memref<!tpu.dma_semaphore, #tpu.memory_space<semaphore_mem>>) {add = true}
        %dma_wait3A = arith.constant 0 : i32
        %dma_wait3A_28 = tpu.memref_slice %arg6[%mul3A_20, %dma_wait3A] : memref<3200x8xf32, #tpu.memory_space<vmem>> -> memref<128x8xf32, #tpu.memory_space<vmem>>
        %dma_wait3A_29 = arith.constant 0 : i32
        %dma_wait3A_30 = tpu.memref_slice %arg7[%scan3A_18, %dma_wait3A_29] : memref<25x128xi32, #tpu.memory_space<vmem>> -> memref<1x128xi32, #tpu.memory_space<vmem>>
        %dma_wait3A_31 = tpu.memref_squeeze %dma_wait3A_30 : memref<1x128xi32, #tpu.memory_space<vmem>> -> memref<128xi32, #tpu.memory_space<vmem>>
        %dma_wait3A_32 = arith.constant 0 : i32
        %dma_wait3A_33 = arith.constant 0 : i32
        %dma_wait3A_34 = tpu.memref_slice %arg8[%dma_wait3A_32, %dma_wait3A_33] : memref<512x8xf32, #tpu.memory_space<vmem_shared>> -> memref<512x8xf32, #tpu.memory_space<vmem_shared>>
        tpu.wait_indirect_dma semaphore(%run_scoped3A : memref<!tpu.dma_semaphore, #tpu.memory_space<semaphore_mem>>) src(%dma_wait3A_28 : memref<128x8xf32, #tpu.memory_space<vmem>>) dst(%dma_wait3A_34 : memref<512x8xf32, #tpu.memory_space<vmem_shared>>)
        tpu.yield
      }) : () -> ()
    }
    %scan3A_11 = arith.constant 25 : i32
    %barrier3A_12 = arith.constant 0 : index
    tpu.barrier barrier_id(%barrier3A_12)
    %eq3A_13 = arith.constant 0 : i32
    %eq3A_14 = arith.cmpi eq, %arg1, %eq3A_13 : i32
    %convert_element_type3A_15 = arith.extui %eq3A_14 : i1 to i32
    %cond3A_16 = arith.constant 0 : i32
    %cond3A_17 = arith.cmpi ne, %convert_element_type3A_15, %cond3A_16 : i32
    scf.if %cond3A_17 {
      "tpu.region"() ({
        %run_scoped3A = tpu.sem_alloc : memref<!tpu.dma_semaphore, #tpu.memory_space<semaphore_mem>>
        %dma_start3A = arith.constant 0 : i32
        %dma_start3A_18 = arith.constant 0 : i32
        %dma_start3A_19 = tpu.memref_slice %arg5[%arg0, %dma_start3A, %dma_start3A_18] : memref<2x512x8xf32, #tpu.memory_space<hbm>> -> memref<1x512x8xf32, #tpu.memory_space<hbm>>
        %dma_start3A_20 = tpu.memref_squeeze %dma_start3A_19 : memref<1x512x8xf32, #tpu.memory_space<hbm>> -> memref<512x8xf32, #tpu.memory_space<hbm>>
        tpu.enqueue_dma source(%arg8 : memref<512x8xf32, #tpu.memory_space<vmem_shared>>) target(%dma_start3A_20 : memref<512x8xf32, #tpu.memory_space<hbm>>) target_semaphore(%run_scoped3A : memref<!tpu.dma_semaphore, #tpu.memory_space<semaphore_mem>>)
        %dma_wait3A = arith.constant 0 : i32
        %dma_wait3A_21 = arith.constant 0 : i32
        %dma_wait3A_22 = tpu.memref_slice %arg5[%arg0, %dma_wait3A, %dma_wait3A_21] : memref<2x512x8xf32, #tpu.memory_space<hbm>> -> memref<1x512x8xf32, #tpu.memory_space<hbm>>
        %dma_wait3A_23 = tpu.memref_squeeze %dma_wait3A_22 : memref<1x512x8xf32, #tpu.memory_space<hbm>> -> memref<512x8xf32, #tpu.memory_space<hbm>>
        tpu.wait_dma2 semaphore(%run_scoped3A : memref<!tpu.dma_semaphore, #tpu.memory_space<semaphore_mem>>) src(%arg8 : memref<512x8xf32, #tpu.memory_space<vmem_shared>>) dst(%dma_wait3A_23 : memref<512x8xf32, #tpu.memory_space<hbm>>)
        tpu.yield
      }) : () -> ()
    } else {
    }
    return
  }
}

module attributes {stable_mosaic.version = 14 : i64} {
  func.func @_tc_body(%arg0: i32, %arg1: memref<5120x128xf32, #tpu.memory_space<vmem>>, %arg2: memref<64x5120xf32, #tpu.memory_space<vmem>>, %arg3: memref<64x5120xf32, #tpu.memory_space<vmem>>, %arg4: memref<64x5120xf32, #tpu.memory_space<vmem>>, %arg5: memref<128x64xf32, #tpu.memory_space<vmem>>, %arg6: memref<64x1xf32, #tpu.memory_space<vmem>>, %arg7: memref<64x1xf32, #tpu.memory_space<vmem>>, %arg8: memref<1x1xf32, #tpu.memory_space<vmem>>, %arg9: memref<64x96xf32, #tpu.memory_space<vmem>>, %arg10: memref<64x96xf32, #tpu.memory_space<vmem>>, %arg11: memref<64x96xf32, #tpu.memory_space<vmem>>, %arg12: memref<96x32xf32, #tpu.memory_space<vmem>>, %arg13: memref<32x96xf32, #tpu.memory_space<vmem>>, %arg14: memref<96x8xf32, #tpu.memory_space<vmem>>, %arg15: memref<8x5120xf32, #tpu.memory_space<vmem>>) attributes {dimension_semantics = [#tpu.dimension_semantics<arbitrary>], iteration_bounds = array<i64: 20>, scalar_prefetch = 0 : i64, scratch_operands = 0 : i64, tpu.core_type = #tpu.core_type<tc>, window_params = [{transform_indices = @transform_0, window_bounds = array<i64: 5120, 128>}, {transform_indices = @transform_1, window_bounds = array<i64: 64, 5120>}, {transform_indices = @transform_2, window_bounds = array<i64: 64, 5120>}, {transform_indices = @transform_3, window_bounds = array<i64: 64, 5120>}, {pipeline_mode = #tpu.pipeline_mode<synchronous>, transform_indices = @transform_4, window_bounds = array<i64: 128, 64>}, {pipeline_mode = #tpu.pipeline_mode<synchronous>, transform_indices = @transform_5, window_bounds = array<i64: 64, 1>}, {pipeline_mode = #tpu.pipeline_mode<synchronous>, transform_indices = @transform_6, window_bounds = array<i64: 64, 1>}, {pipeline_mode = #tpu.pipeline_mode<synchronous>, transform_indices = @transform_7, window_bounds = array<i64: 1, 1>}, {pipeline_mode = #tpu.pipeline_mode<synchronous>, transform_indices = @transform_8, window_bounds = array<i64: 64, 96>}, {pipeline_mode = #tpu.pipeline_mode<synchronous>, transform_indices = @transform_9, window_bounds = array<i64: 64, 96>}, {pipeline_mode = #tpu.pipeline_mode<synchronous>, transform_indices = @transform_10, window_bounds = array<i64: 64, 96>}, {pipeline_mode = #tpu.pipeline_mode<synchronous>, transform_indices = @transform_11, window_bounds = array<i64: 96, 32>}, {pipeline_mode = #tpu.pipeline_mode<synchronous>, transform_indices = @transform_12, window_bounds = array<i64: 32, 96>}, {pipeline_mode = #tpu.pipeline_mode<synchronous>, transform_indices = @transform_13, window_bounds = array<i64: 96, 8>}, {transform_indices = @transform_14, window_bounds = array<i64: 8, 5120>}]} {
    %get3A = arith.constant 0 : index
    %get3A_0 = arith.constant 0 : index
    %get3A_1 = vector.load %arg5[%get3A, %get3A_0] : memref<128x64xf32, #tpu.memory_space<vmem>>, vector<128x64xf32>
    %get3A_2 = arith.constant 0 : index
    %get3A_3 = arith.constant 0 : index
    %get3A_4 = vector.load %arg1[%get3A_2, %get3A_3] : memref<5120x128xf32, #tpu.memory_space<vmem>>, vector<5120x128xf32>
    %dot_general3A = arith.constant dense<0.000000e+00> : vector<64x5120xf32>
    %dot_general3A_5 = tpu.matmul %get3A_1, %get3A_4, %dot_general3A {dimension_numbers = #tpu.dot_dimension_numbers<[0], [1], [1], [0], [0, 1, 1, 0], [], []>, transpose_lhs_hint = false} : vector<128x64xf32>, vector<5120x128xf32>, vector<64x5120xf32> -> vector<64x5120xf32>
    %get3A_6 = arith.constant 0 : index
    %get3A_7 = arith.constant 0 : index
    %get3A_8 = vector.load %arg6[%get3A_6, %get3A_7] : memref<64x1xf32, #tpu.memory_space<vmem>>, vector<64x1xf32>
    %add3A = vector.broadcast %get3A_8 : vector<64x1xf32> to vector<64x5120xf32>
    %add3A_9 = arith.addf %dot_general3A_5, %add3A : vector<64x5120xf32>
    %logistic3A = arith.negf %add3A_9 : vector<64x5120xf32>
    %logistic3A_10 = math.exp %logistic3A : vector<64x5120xf32>
    %logistic3A_11 = arith.constant 1.000000e+00 : f32
    %logistic3A_12 = vector.broadcast %logistic3A_11 : f32 to vector<64x5120xf32>
    %logistic3A_13 = arith.addf %logistic3A_12, %logistic3A_10 : vector<64x5120xf32>
    %logistic3A_14 = arith.divf %logistic3A_12, %logistic3A_13 : vector<64x5120xf32>
    %mul3A = arith.mulf %add3A_9, %logistic3A_14 : vector<64x5120xf32>
    %get3A_15 = arith.constant 0 : index
    %get3A_16 = arith.constant 0 : index
    %get3A_17 = vector.load %arg7[%get3A_15, %get3A_16] : memref<64x1xf32, #tpu.memory_space<vmem>>, vector<64x1xf32>
    %mul3A_18 = vector.broadcast %get3A_17 : vector<64x1xf32> to vector<64x5120xf32>
    %mul3A_19 = arith.mulf %mul3A, %mul3A_18 : vector<64x5120xf32>
    %reduce_sum3A = arith.constant dense<0.000000e+00> : vector<5120xf32>
    %reduce_sum3A_20 = vector.multi_reduction <add>, %mul3A_19, %reduce_sum3A [0] : vector<64x5120xf32> to vector<5120xf32>
    %broadcast_in_dim3A = vector.shape_cast %reduce_sum3A_20 : vector<5120xf32> to vector<1x5120xf32>
    %get3A_21 = arith.constant 0 : index
    %get3A_22 = arith.constant 0 : index
    %get3A_23 = vector.load %arg8[%get3A_21, %get3A_22] : memref<1x1xf32, #tpu.memory_space<vmem>>, vector<1x1xf32>
    %add3A_24 = vector.broadcast %get3A_23 : vector<1x1xf32> to vector<1x5120xf32>
    %add3A_25 = arith.addf %broadcast_in_dim3A, %add3A_24 : vector<1x5120xf32>
    %get3A_26 = arith.constant 0 : index
    %get3A_27 = arith.constant 0 : index
    %get3A_28 = vector.load %arg9[%get3A_26, %get3A_27] : memref<64x96xf32, #tpu.memory_space<vmem>>, vector<64x96xf32>
    %get3A_29 = arith.constant 0 : index
    %get3A_30 = arith.constant 0 : index
    %get3A_31 = vector.load %arg2[%get3A_29, %get3A_30] : memref<64x5120xf32, #tpu.memory_space<vmem>>, vector<64x5120xf32>
    %dot_general3A_32 = arith.constant dense<0.000000e+00> : vector<96x5120xf32>
    %dot_general3A_33 = tpu.matmul %get3A_28, %get3A_31, %dot_general3A_32 {dimension_numbers = #tpu.dot_dimension_numbers<[0], [0], [1], [1], [0, 1, 1, 1], [], []>, transpose_lhs_hint = false} : vector<64x96xf32>, vector<64x5120xf32>, vector<96x5120xf32> -> vector<96x5120xf32>
    %get3A_34 = arith.constant 0 : index
    %get3A_35 = arith.constant 0 : index
    %get3A_36 = vector.load %arg10[%get3A_34, %get3A_35] : memref<64x96xf32, #tpu.memory_space<vmem>>, vector<64x96xf32>
    %get3A_37 = arith.constant 0 : index
    %get3A_38 = arith.constant 0 : index
    %get3A_39 = vector.load %arg3[%get3A_37, %get3A_38] : memref<64x5120xf32, #tpu.memory_space<vmem>>, vector<64x5120xf32>
    %dot_general3A_40 = arith.constant dense<0.000000e+00> : vector<96x5120xf32>
    %dot_general3A_41 = tpu.matmul %get3A_36, %get3A_39, %dot_general3A_40 {dimension_numbers = #tpu.dot_dimension_numbers<[0], [0], [1], [1], [0, 1, 1, 1], [], []>, transpose_lhs_hint = false} : vector<64x96xf32>, vector<64x5120xf32>, vector<96x5120xf32> -> vector<96x5120xf32>
    %add3A_42 = arith.addf %dot_general3A_33, %dot_general3A_41 : vector<96x5120xf32>
    %get3A_43 = arith.constant 0 : index
    %get3A_44 = arith.constant 0 : index
    %get3A_45 = vector.load %arg11[%get3A_43, %get3A_44] : memref<64x96xf32, #tpu.memory_space<vmem>>, vector<64x96xf32>
    %get3A_46 = arith.constant 0 : index
    %get3A_47 = arith.constant 0 : index
    %get3A_48 = vector.load %arg4[%get3A_46, %get3A_47] : memref<64x5120xf32, #tpu.memory_space<vmem>>, vector<64x5120xf32>
    %dot_general3A_49 = arith.constant dense<0.000000e+00> : vector<96x5120xf32>
    %dot_general3A_50 = tpu.matmul %get3A_45, %get3A_48, %dot_general3A_49 {dimension_numbers = #tpu.dot_dimension_numbers<[0], [0], [1], [1], [0, 1, 1, 1], [], []>, transpose_lhs_hint = false} : vector<64x96xf32>, vector<64x5120xf32>, vector<96x5120xf32> -> vector<96x5120xf32>
    %add3A_51 = arith.addf %add3A_42, %dot_general3A_50 : vector<96x5120xf32>
    %get3A_52 = arith.constant 0 : index
    %get3A_53 = arith.constant 0 : index
    %get3A_54 = vector.load %arg12[%get3A_52, %get3A_53] : memref<96x32xf32, #tpu.memory_space<vmem>>, vector<96x32xf32>
    %mul3A_55 = arith.mulf %add3A_51, %add3A_51 : vector<96x5120xf32>
    %dot_general3A_56 = arith.constant dense<0.000000e+00> : vector<32x5120xf32>
    %dot_general3A_57 = tpu.matmul %get3A_54, %mul3A_55, %dot_general3A_56 {dimension_numbers = #tpu.dot_dimension_numbers<[0], [0], [1], [1], [0, 1, 1, 1], [], []>, transpose_lhs_hint = false} : vector<96x32xf32>, vector<96x5120xf32>, vector<32x5120xf32> -> vector<32x5120xf32>
    %add3A_58 = arith.constant 9.99999996E-13 : f32
    %add3A_59 = vector.broadcast %add3A_58 : f32 to vector<32x5120xf32>
    %add3A_60 = arith.addf %dot_general3A_57, %add3A_59 : vector<32x5120xf32>
    %sqrt3A = math.sqrt %add3A_60 : vector<32x5120xf32>
    %logistic3A_61 = arith.negf %sqrt3A : vector<32x5120xf32>
    %logistic3A_62 = math.exp %logistic3A_61 : vector<32x5120xf32>
    %logistic3A_63 = arith.constant 1.000000e+00 : f32
    %logistic3A_64 = vector.broadcast %logistic3A_63 : f32 to vector<32x5120xf32>
    %logistic3A_65 = arith.addf %logistic3A_64, %logistic3A_62 : vector<32x5120xf32>
    %logistic3A_66 = arith.divf %logistic3A_64, %logistic3A_65 : vector<32x5120xf32>
    %get3A_67 = arith.constant 0 : index
    %get3A_68 = arith.constant 0 : index
    %get3A_69 = vector.load %arg13[%get3A_67, %get3A_68] : memref<32x96xf32, #tpu.memory_space<vmem>>, vector<32x96xf32>
    %dot_general3A_70 = arith.constant dense<0.000000e+00> : vector<96x5120xf32>
    %dot_general3A_71 = tpu.matmul %get3A_69, %logistic3A_66, %dot_general3A_70 {dimension_numbers = #tpu.dot_dimension_numbers<[0], [0], [1], [1], [0, 1, 1, 1], [], []>, transpose_lhs_hint = false} : vector<32x96xf32>, vector<32x5120xf32>, vector<96x5120xf32> -> vector<96x5120xf32>
    %mul3A_72 = arith.mulf %add3A_51, %dot_general3A_71 : vector<96x5120xf32>
    %get3A_73 = arith.constant 0 : index
    %get3A_74 = arith.constant 0 : index
    %get3A_75 = vector.load %arg14[%get3A_73, %get3A_74] : memref<96x8xf32, #tpu.memory_space<vmem>>, vector<96x8xf32>
    %dot_general3A_76 = arith.constant dense<0.000000e+00> : vector<8x5120xf32>
    %dot_general3A_77 = tpu.matmul %get3A_75, %mul3A_72, %dot_general3A_76 {dimension_numbers = #tpu.dot_dimension_numbers<[0], [0], [1], [1], [0, 1, 1, 1], [], []>, transpose_lhs_hint = false} : vector<96x8xf32>, vector<96x5120xf32>, vector<8x5120xf32> -> vector<8x5120xf32>
    %mul3A_78 = vector.broadcast %add3A_25 : vector<1x5120xf32> to vector<8x5120xf32>
    %mul3A_79 = arith.mulf %dot_general3A_77, %mul3A_78 : vector<8x5120xf32>
    %mul3A_80 = arith.constant 5120 : i32
    %mul3A_81 = arith.muli %arg0, %mul3A_80 : i32
    %iota3A = tpu.iota {dimensions = array<i32: 1>} : vector<1x5120xi32>
    %add3A_82 = vector.broadcast %mul3A_81 : i32 to vector<1x5120xi32>
    %add3A_83 = arith.addi %add3A_82, %iota3A : vector<1x5120xi32>
    %lt3A = arith.constant 100000 : i32
    %lt3A_84 = vector.broadcast %lt3A : i32 to vector<1x5120xi32>
    %lt3A_85 = arith.cmpi slt, %add3A_83, %lt3A_84 : vector<1x5120xi32>
    %jit3A = arith.constant 0.000000e+00 : f32
    %broadcast_in_dim3A_86 = vector.shape_cast %lt3A_85 : vector<1x5120xi1> to vector<1x5120xi1>
    %broadcast_in_dim3A_87 = vector.broadcast %broadcast_in_dim3A_86 : vector<1x5120xi1> to vector<8x5120xi1>
    %broadcast_in_dim3A_88 = vector.broadcast %jit3A : f32 to vector<8x5120xf32>
    %select_n3A = arith.select %broadcast_in_dim3A_87, %mul3A_79, %broadcast_in_dim3A_88 : vector<8x5120xi1>, vector<8x5120xf32>
    %swap3A = arith.constant 0 : index
    %swap3A_89 = arith.constant 0 : index
    %swap3A_90 = vector.load %arg15[%swap3A, %swap3A_89] : memref<8x5120xf32, #tpu.memory_space<vmem>>, vector<8x5120xf32>
    tpu.vector_store %arg15[%swap3A, %swap3A_89], %select_n3A {strides = array<i32>} : memref<8x5120xf32, #tpu.memory_space<vmem>>, vector<8x5120xf32>,
    return
  }
  func.func @transform_0(%arg0: i32) -> (i32, i32) {
    %min3A = arith.constant 19 : i32
    %min3A_0 = arith.minsi %arg0, %min3A : i32
    %c0_i32 = arith.constant 0 : i32
    %c0_i32_1 = arith.constant 0 : i32
    return %min3A_0, %c0_i32 : i32, i32
  }
  func.func @transform_1(%arg0: i32) -> (i32, i32) {
    %min3A = arith.constant 19 : i32
    %min3A_0 = arith.minsi %arg0, %min3A : i32
    %c2_i32 = arith.constant 2 : i32
    %c0_i32 = arith.constant 0 : i32
    return %c2_i32, %min3A_0 : i32, i32
  }
  func.func @transform_2(%arg0: i32) -> (i32, i32) {
    %min3A = arith.constant 19 : i32
    %min3A_0 = arith.minsi %arg0, %min3A : i32
    %c3_i32 = arith.constant 3 : i32
    %c0_i32 = arith.constant 0 : i32
    return %c3_i32, %min3A_0 : i32, i32
  }
  func.func @transform_3(%arg0: i32) -> (i32, i32) {
    %min3A = arith.constant 19 : i32
    %min3A_0 = arith.minsi %arg0, %min3A : i32
    %c4_i32 = arith.constant 4 : i32
    %c0_i32 = arith.constant 0 : i32
    return %c4_i32, %min3A_0 : i32, i32
  }
  func.func @transform_4(%arg0: i32) -> (i32, i32) {
    %c0_i32 = arith.constant 0 : i32
    %c0_i32_0 = arith.constant 0 : i32
    %c0_i32_1 = arith.constant 0 : i32
    return %c0_i32, %c0_i32_0 : i32, i32
  }
  func.func @transform_5(%arg0: i32) -> (i32, i32) {
    %c0_i32 = arith.constant 0 : i32
    %c0_i32_0 = arith.constant 0 : i32
    %c0_i32_1 = arith.constant 0 : i32
    return %c0_i32, %c0_i32_0 : i32, i32
  }
  func.func @transform_6(%arg0: i32) -> (i32, i32) {
    %c0_i32 = arith.constant 0 : i32
    %c0_i32_0 = arith.constant 0 : i32
    %c0_i32_1 = arith.constant 0 : i32
    return %c0_i32, %c0_i32_0 : i32, i32
  }
  func.func @transform_7(%arg0: i32) -> (i32, i32) {
    %c0_i32 = arith.constant 0 : i32
    %c0_i32_0 = arith.constant 0 : i32
    %c0_i32_1 = arith.constant 0 : i32
    return %c0_i32, %c0_i32_0 : i32, i32
  }
  func.func @transform_8(%arg0: i32) -> (i32, i32) {
    %c0_i32 = arith.constant 0 : i32
    %c0_i32_0 = arith.constant 0 : i32
    %c0_i32_1 = arith.constant 0 : i32
    return %c0_i32, %c0_i32_0 : i32, i32
  }
  func.func @transform_9(%arg0: i32) -> (i32, i32) {
    %c0_i32 = arith.constant 0 : i32
    %c0_i32_0 = arith.constant 0 : i32
    %c0_i32_1 = arith.constant 0 : i32
    return %c0_i32, %c0_i32_0 : i32, i32
  }
  func.func @transform_10(%arg0: i32) -> (i32, i32) {
    %c0_i32 = arith.constant 0 : i32
    %c0_i32_0 = arith.constant 0 : i32
    %c0_i32_1 = arith.constant 0 : i32
    return %c0_i32, %c0_i32_0 : i32, i32
  }
  func.func @transform_11(%arg0: i32) -> (i32, i32) {
    %c0_i32 = arith.constant 0 : i32
    %c0_i32_0 = arith.constant 0 : i32
    %c0_i32_1 = arith.constant 0 : i32
    return %c0_i32, %c0_i32_0 : i32, i32
  }
  func.func @transform_12(%arg0: i32) -> (i32, i32) {
    %c0_i32 = arith.constant 0 : i32
    %c0_i32_0 = arith.constant 0 : i32
    %c0_i32_1 = arith.constant 0 : i32
    return %c0_i32, %c0_i32_0 : i32, i32
  }
  func.func @transform_13(%arg0: i32) -> (i32, i32) {
    %c0_i32 = arith.constant 0 : i32
    %c0_i32_0 = arith.constant 0 : i32
    %c0_i32_1 = arith.constant 0 : i32
    return %c0_i32, %c0_i32_0 : i32, i32
  }
  func.func @transform_14(%arg0: i32) -> (i32, i32) {
    %c0_i32 = arith.constant 0 : i32
    %c0_i32_0 = arith.constant 0 : i32
    return %c0_i32, %arg0 : i32, i32
  }
}

</mosaic_0001>

<sc_bundles>
// kernel: kernel.4.cloned.1.call-start
scs
__scs_entry_jumppad:
0x0: {  	(pc) =	sbr.rel $0x88, $3  }
0x1: {  	(tag) =	ssettag $0x0;
	lr =	simm.s32 $0x1  }
0x2: {  	[smem:$0x3F98] =	sst lr;
	_ =	strace $0xD0000000  }
0x3: {  	_ = 	snop  }
0x4: {  	_ = 	snop  }
0x5: {  	_ = 	snop  }
0x6: {  	_ = 	snop  }
0x7: {  	_ = 	snop  }
__scs_overlays_trampoline_lowered:
0x8: {  	[smem:$0x3FA7] =	sst s0  }
0x9: {  	[smem:$0x3FA8] =	sst s1  }
0xa: {  	[smem:$0x3FA9] =	sst s2  }
0xb: {  	[smem:$0x3FAA] =	sst s3  }
0xc: {  	[smem:$0x3FAB] =	sst s4  }
0xd: {  	[smem:$0x3FAC] =	sst s5  }
0xe: {  	[smem:$0x3FAD] =	sst s6  }
0xf: {  	[smem:$0x3FAE] =	sst s7  }
0x10: {  	[smem:$0x3FAF] =	sst s8  }
0x11: {  	[smem:$0x3FB0] =	sst s9;
	s0 =	simm.s32 @!p0 $0x0  }
0x12: {  	s1 =	sld [smem:$0x3F96];
	s0 =	simm.s32 @p0 $0x1  }
0x13: {  	[smem:$0x3FB1] =	sst s0;
	s0 =	simm.s32 @!p1 $0x0  }
0x14: {  	s2 =	sld [smem:$0x3F95];
	s0 =	simm.s32 @p1 $0x1  }
0x15: {  	[smem:$0x3FB2] =	sst s0;
	s0 =	simm.s32 @!p2 $0x0  }
0x16: {  	s3 =	sld [smem:$0x3FDB];
	s0 =	simm.s32 @p2 $0x1  }
0x17: {  	s4 =	simm.s32 $0x1BF5;
	[smem:$0x3FB4] =	sst s0  }
0x18: {  	s0 =	sld [smem:$0x3F97];
	_ =	swait.ge [sflag:s4], $0x0  }
0x19: {  	s7 =	sld [smem:$0x3F98]  }
0x1a: {  	s8 =	sadd.s32 $0xFFFFE003, lr  }
0x1b: {  	s9 =	sadd.s32 $0xFFFFFEF7, lr;
	s5 =	simm.s32 $0xFFFFFFFF;
	p2 =	slt.u32 s8, $0xFFFFF086  }
0x1c: {  	p1 =	slt.u32 s9, $0xF7A;
	s5 =	simm.s32 @!p2 $0x0  }
0x1d: {  	s5 =	simm.s32 @p1 $0x1;
	p0 =	seq.s32 s7, s2  }
0x1e: {  	s7 =	smul.u32 @!p0 $0xF7A, s2;
	p2 =	seq.s32 @!p0 s5, $0x0  }
0x1f: {  	s9 =	smul.u32 $0xF7A, s1;
	s8 =	simm.s32 @!p0 $0x1BF5;
	p2 =	por !p2, p0  }
0x20: {  	[sflag:s8] =	ssyncset.s32 @!p0 $0xFFFFF086;
	s6 =	sadd.s32 @!p0 s3, s7;
	s7 =	simm.s32 @!p0 $0x108  }
0x21: {  	s3 =	sadd.s32 s3, s9;
	s6 =	sadd.s32 @!p0 $0x88, s6;
	s7 =	simm.s32 @p2 $0x1082  }
0x22: {  	[simem:s7], [sflag:s8] =	dma.local @!p0 [hbm:s6], $0xF7A  }
0x23: {  	s9 =	sor.u32 $0xD0000000, s2;
	s6 =	simm.s32 $0x108;
	_ =	swait.ge @!p0 [sflag:s8], $0x0  }
0x24: {  	s3 =	sadd.s32 $0x88, s3;
	s6 =	simm.s32 @!p1 $0x1082;
	[sflag:s4] =	ssyncset.s32 $0xFFFFF086  }
0x25: {  	[simem:s6], [sflag:s4] =	dma.local [hbm:s3], $0xF7A  }
0x26: {  	[smem:$0x3F98] =	sst s1;
	(tag) =	ssettag s2;
	_ =	strace s9  }
0x27: {  	s1 =	sld [smem:$0x3FA8]  }
0x28: {  	s2 =	sld [smem:$0x3FA9]  }
0x29: {  	s4 =	sld [smem:$0x3FAB]  }
0x2a: {  	p0 =	seq.s32 s5, $0x0;
	s5 =	sld [smem:$0x3FAC]  }
0x2b: {  	s6 =	sld [smem:$0x3FAD]  }
0x2c: {  	s7 =	sld [smem:$0x3FAE]  }
0x2d: {  	s3 =	simm.s32 $0x108;
	s8 =	sld [smem:$0x3FAF]  }
0x2e: {  	s3 =	simm.s32 @!p0 $0x1082;
	s9 =	sld [smem:$0x3FB0]  }
0x2f: {  	lr =	sadd.s32 s0, s3;
	s0 =	sld [smem:$0x3FA7]  }
0x30: {  	s3 =	sld [smem:$0x3FAA]  }
0x31: {  	[smem:$0x3FB3] =	sst s10  }
0x32: {  	s10 =	sld [smem:$0x3FB1];
	_ =	sdelay $0x3  }
0x33: {  	p0 =	seq.s32 s10, $0x1;
	s10 =	sld [smem:$0x3FB3];
	_ =	sdelay $0x3  }
0x34: {  	[smem:$0x3FB3] =	sst s10  }
0x35: {  	s10 =	sld [smem:$0x3FB2];
	_ =	sdelay $0x3  }
0x36: {  	p1 =	seq.s32 s10, $0x1;
	s10 =	sld [smem:$0x3FB3];
	_ =	sdelay $0x3  }
0x37: {  	[smem:$0x3FB3] =	sst s10  }
0x38: {  	s10 =	sld [smem:$0x3FB4]  }
0x39: {  	_ = 	snop;
	(pc) =	sbr.ind lr, $3  }
0x3a: {  	_ = 	snop  }
0x3b: {  	_ = 	snop  }
0x3c: {  	p2 =	seq.s32 s10, $0x1;
	s10 =	sld [smem:$0x3FB3]  }
0x3d: {  	_ =	shalt  }
0x3e: {  	_ =	shalt  }
0x3f: {  	_ =	shalt  }
0x40: {  	_ =	shalt  }
0x41: {  	_ =	shalt  }
0x42: {  	_ =	shalt  }
0x43: {  	_ =	shalt  }
0x44: {  	_ =	shalt  }
0x45: {  	_ =	shalt  }
0x46: {  	_ =	shalt  }
0x47: {  	_ =	shalt  }
0x48: {  	_ =	shalt  }
0x49: {  	_ =	shalt  }
0x4a: {  	_ =	shalt  }
0x4b: {  	_ =	shalt  }
0x4c: {  	_ =	shalt  }
0x4d: {  	_ =	shalt  }
0x4e: {  	_ =	shalt  }
0x4f: {  	_ =	shalt  }
0x50: {  	_ =	shalt  }
0x51: {  	_ =	shalt  }
0x52: {  	_ =	shalt  }
0x53: {  	_ =	shalt  }
0x54: {  	_ =	shalt  }
0x55: {  	_ =	shalt  }
0x56: {  	_ =	shalt  }
0x57: {  	_ =	shalt  }
0x58: {  	_ =	shalt  }
0x59: {  	_ =	shalt  }
0x5a: {  	_ =	shalt  }
0x5b: {  	_ =	shalt  }
0x5c: {  	_ =	shalt  }
0x5d: {  	_ =	shalt  }
0x5e: {  	_ =	shalt  }
0x5f: {  	_ =	shalt  }
0x60: {  	_ =	shalt  }
0x61: {  	_ =	shalt  }
0x62: {  	_ =	shalt  }
0x63: {  	_ =	shalt  }
0x64: {  	_ =	shalt  }
0x65: {  	_ =	shalt  }
0x66: {  	_ =	shalt  }
0x67: {  	_ =	shalt  }
0x68: {  	_ =	shalt  }
0x69: {  	_ =	shalt  }
0x6a: {  	_ =	shalt  }
0x6b: {  	_ =	shalt  }
0x6c: {  	_ =	shalt  }
0x6d: {  	_ =	shalt  }
0x6e: {  	_ =	shalt  }
0x6f: {  	_ =	shalt  }
0x70: {  	_ =	shalt  }
0x71: {  	_ =	shalt  }
0x72: {  	_ =	shalt  }
0x73: {  	_ =	shalt  }
0x74: {  	_ =	shalt  }
0x75: {  	_ =	shalt  }
0x76: {  	_ =	shalt  }
0x77: {  	_ =	shalt  }
0x78: {  	_ =	shalt  }
0x79: {  	_ =	shalt  }
0x7a: {  	_ =	shalt  }
0x7b: {  	_ =	shalt  }
0x7c: {  	_ =	shalt  }
0x7d: {  	_ =	shalt  }
0x7e: {  	_ =	shalt  }
0x7f: {  	_ =	shalt  }
0x80: {  	_ =	shalt  }
0x81: {  	_ =	shalt  }
0x82: {  	_ =	shalt  }
0x83: {  	_ =	shalt  }
0x84: {  	_ =	shalt  }
0x85: {  	_ =	shalt  }
0x86: {  	_ =	shalt  }
0x87: {  	_ =	shalt  }
.Lfunc_end0:
.L_simem_size_0:
called_computation_lowered:
.L_overlay_start_0:
0x88: {  	s2 =	sld [smem:$0x3FD9]  }
0x89: {  	s3 =	sld [smem:$0x3FFE];
	_ =	sdelay $0x1  }
0x8a: {  	s1 =	srdreg.scid  }
0x8b: {  	s0 =	sand.u32 $0x1, s1  }
0x8c: {  	s16 =	sshll.u32 s0, $0xA;
	s2 =	sadd.s32 s3, s2  }
0x8d: {  	s2 =	sadd.s32 s2, s16  }
0x8e: {  	[smem:$0x3FBF] =	sst s2  }
0x8f: {  	_ = 	snop  }
0x90: {  	(tm) =	ssettm $0x1  }
0x91: {  	s17 =	sld [smem:$0x3FFB];
	_ =	sdelay $0x3  }
0x92: {  	_ =	strace s17  }
0x93: {  	s2 =	sld [smem:$0x3FFC];
	_ =	sdelay $0x3  }
0x94: {  	_ =	strace s2  }
0x95: {  	s2 =	sld [smem:$0x3FFD];
	_ =	sdelay $0x3  }
0x96: {  	_ =	strace s2  }
0x97: {  	_ =	strace $0x8FFFFFFF  }
0x98: {  	s18 =	sld [smem:$0x3FDB];
	_ =	sdelay $0x1  }
0x99: {  	s19 =	simm.s32 $_scs_section_size  }
0x9a: {  	s4 =	simm.s32 $_size__tile_overlayer_lowered;
	s5 =	simm.s32 $_tile_overlayer_lowered  }
0x9b: {  	s22 =	simm.s32 $0x1BFF;
	s21 =	sshll.u32 s5, $0x1;
	s2 =	sadd.s32 s19, s18  }
0x9c: {  	s6 =	simm.s32 $0x0;
	s20 =	sshll.u32 s4, $0x1;
	s4 =	sadd.s32 s21, s2  }
0x9d: {  	[timem:s6], [sflag:s22] =	dma.local [hbm:s4], s20  }
0x9e: {  	_ =	swait.ge [sflag:s22], s20  }
0x9f: {  	s3 =	ssub.s32 $0x0, s20;
	[sflag:s22] =	ssyncset.done $0x0  }
0xa0: {  	[sflag:s22] =	ssyncadd.s32 s3;
	_ =	sdelay $0x1  }
0xa1: {  	s23 =	simm.s32 $0x1B8B  }
0xa2: {  	_ =	swait.ge [sflag:s23], $0x1  }
0xa3: {  	[sflag:s23] =	ssyncset.done $0x0  }
0xa4: {  	s25 =	simm.s32 $0x1B8E;
	s24 =	sld [smem:$0x3FFE];
	[sflag:s23] =	ssyncadd.s32 $0xFFFFFFFF  }
0xa5: {  	s26 =	simm.s32 $execute0_lowered;
	[smem:$0x3FD2] =	sst s25  }
0xa6: {  	s4 =	sshll.u32 s26, $0x1;
	_ =	strace $0x80000046;
	[dreg:$0x1] =	wrdreg $0xFFFFFFFF  }
0xa7: {  	s28 =	simm.s32 $_size_execute0_lowered;
	s2 =	sadd.s32 s2, s4;
	[dreg:$0x0] =	wrdreg $0x0  }
0xa8: {  	s4 =	sshll.u32 s28, $0x1;
	[dreg:$0x2] =	wrdreg s2  }
0xa9: {  	[dreg:$0x3] =	wrdreg s4  }
0xaa: {  	[dreg:$0x4] =	wrdreg $0xC0  }
0xab: {  	_ =	task [dreg:s6], $0x5FFFF  }
0xac: {  	[dreg:$0x1] =	wrdreg $0xFFFFFFFF  }
0xad: {  	[dreg:$0x0] =	wrdreg $0x60  }
0xae: {  	[dreg:$0x2] =	wrdreg s24  }
0xaf: {  	[dreg:$0x3] =	wrdreg $0x70800  }
0xb0: {  	[dreg:$0x4] =	wrdreg $0x9  }
0xb1: {  	_ =	task.clear_ibuf [dreg:s6], $0x5FFFF;
	_ =	strace $0x90000046  }
0xb2: {  	s29 =	simm.s32 $0x9;
	_ =	strace $0x80000048  }
0xb3: {  	_ =	swait.ge [sflag:s29], $0x1  }
0xb4: {  	[sflag:s29] =	ssyncadd.s32 $0xFFFFFFFF  }
0xb5: {  	_ =	strace $0x90000048  }
0xb6: {  	_ =	sfence  }
0xb7: {  	s30 =	sld [smem:$0x0];
	_ =	sdelay $0x2  }
0xb8: {  	s31 =	sshll.u32 s1, $0xD;
	s1 =	sshrl.u32 s1, $0x2  }
0xb9: {  	s3 =	sand.u32 $0x4000, s31;
	s1 =	sadd.s32 s1, s30  }
0xba: {  	s0 =	sor.u32 s3, s0;
	s1 =	sshll.u32 s1, $0x11  }
0xbb: {  	s0 =	sor.u32 s1, s0  }
0xbc: {  	s0 =	sadd.s32 $0x8F2B, s0  }
0xbd: {  	[sflag:s0] =	ssyncadd.remote.s32 $0x1  }
0xbe: {  	_ =	sfence.sel $0xFFFF  }
0xbf: {  	[dreg:$0x0] =	wrdreg $0xFFFFFFFF;
	(pc) =	sbr.abs _section_cstart, $3  }
0xc0: {  	[dreg:$0x1] =	wrdreg $0xFFFFFFFF  }
0xc1: {  	_ =	task.clear_ibuf [dreg:s6], $0x2FFFF;
	_ =	strace $0x9FFFFFFF  }
0xc2: {  	(tm) =	ssettm $0x7FFFFFFF  }
0xc3: {  	_ =	shalt  }
tec
execute0_lowered:
.L_overlay_start_1:
0x0: {  	(tag) =	ssettag $0x1  }
0x1: {  	s0 =	srdreg.scid;
	s4 =	rddreg [dreg:$0x0]  }
0x2: {  	s8 =	stileid.u32;
	s1 =	rddreg [dreg:$0x1]  }
0x3: {  	s2 =	simm.s32 $0x0;
	s5 =	sand.u32 $0x1, s0;
	s0 =	rddreg [dreg:$0x2]  }
0x4: {  	s12 =	simm.s32 $0x0;
	s31 =	sshll.u32 s8, $0x1;
	[smem:$0x7FF] =	sst s2  }
0x5: {  	p0 =	sne.s32 s8, $0x0;
	s8 =	simm.s32 $0x1;
	s3 =	sor.u32 s5, s31  }
0x6: {  	_ =	strace $0x80000047;
	s9 =	ssub.s32 $0x2, s5;
	s6 =	smul.u32 $0xC80, s3  }
0x7: {  	s5 =	sshll.u32 s5, $0x9;
	s3 =	smul.u32 $0x190, s3;
	s10 =	sshrl.u32 s9, $0x1  }
0x8: {  	s11 =	sadd.s32 s5, s4;
	s9 =	ssub.s32 s9, s10;
	s10 =	sshrl.u32 @!p0 s1, $0x3  }
0x9: {  	s6 =	sadd.s32 s6, s4;
	s7 =	sadd.s32 s3, s4;
	s3 =	sadd.s32 $0x4400, s4  }
0xa: {  	s4 =	sadd.s32 $0x191200, s6;
	s5 =	sadd.s32 $0x1200, s7;
	s6 =	sadd.s32 $0x4600, s11  }
0xb: {  	s7 =	smax.u32 s9, $0x1;
	s9 =	simm.s32 $0x6400;
	s11 =	simm.s32 $0x80  }
.LBB2_1:
0xc: {  	[tilespmem:s2], [sflag:$0x1] =	stream.linear.gather [hbm4b:s4+s2], $0x6400, $0x38;
	[tilespmem:$0x7180] =	vst v63  }
0xd: {  	_ =	swait.ge [sflag:s8], $0x6400  }
0xe: {  	[sflag:s8] =	ssyncset.done $0x0  }
0xf: {  	[sflag:s8] =	ssyncadd.s32 $0xFFFF9C00  }
0x10: {  	[tilespmem:s9], [sflag:$0x1] =	stream.linear.gather [hbm4b:s5+s2], $0xC80, $0x38;
	[tilespmem:$0x7180] =	vst v63  }
0x11: {  	_ =	swait.ge [sflag:s8], $0xC80  }
0x12: {  	[sflag:s8] =	ssyncset.done $0x0  }
0x13: {  	s13 =	simm.s32 @!p0 $0x1C01;
	[sflag:s8] =	ssyncadd.s32 $0xFFFFF380  }
0x14: {  	[spmem:s10], [sflag:s13] =	dma.local @!p0 [hbm:s3], $0x200  }
0x15: {  	s13 =	simm.s32 @!p0 $0x1  }
0x16: {  	_ =	swait.ge @!p0 [sflag:s13], $0x200  }
0x17: {  	[sflag:s13] =	ssyncset.done @!p0 $0x0  }
0x18: {  	[sflag:s13] =	ssyncadd.s32 @!p0 $0xFFFFFE00  }
0x19: {  	s31 =	simm.s32 $0x6400;
	[bflag:$0x0] =	sbarrier.arrive $0xFFFF  }
0x1a: {  	[spmem:s1] =	stream.indirect.scatter.add.f32 [tilespmem:s2], [sflag:$0x1], $0x8, s31, s11, $0xb8;
	[tilespmem:$0x7180] =	vst v63  }
0x1b: {  	s14 =	simm.s32 $0x0;
	s13 =	simm.s32 $0x200;
	_ =	swait.ge [sflag:s8], $0x400  }
.LBB2_2:
0x1c: {  	s15 =	sshra.s32 s13, $0x2  }
0x1d: {  	[sflag:s8] =	ssyncset.done $0x0;
	s14 =	sadd.s32 $0x400, s14;
	p1 =	sne.s32 s13, $0x3000  }
.Ltmp0:
0x1e: {  	s15 =	sadd.s32 $0x6400, s15;
	[sflag:s8] =	ssyncadd.s32 $0xFFFFFC00;
	(pc) =	sbr.rel @p1 .LBB2_2-.Ltmp0, $3  }
0x1f: {  	[spmem:s1] =	stream.indirect.scatter.add.f32 [tilespmem:s14], [sflag:$0x1], $0x8, s15, s11, $0xb8;
	[tilespmem:$0x7180] =	vst v63  }
0x20: {  	s13 =	sadd.s32 $0x200, s13;
	_ =	sdelay $0x1  }
0x21: {  	_ =	swait.ge [sflag:s8], $0x400  }
0x22: {  	[sflag:s8] =	ssyncset.done $0x0  }
0x23: {  	s12 =	sadd.s32 $0x1, s12;
	[sflag:s8] =	ssyncadd.s32 $0xFFFFFC00  }
0x24: {  	s13 =	simm.s32 @!p0 $0x1C01;
	p1 =	sne.s32 s12, s7;
	[bflag:$0x0] =	sbarrier.arrive $0xFFFF  }
0x25: {  	[hbm:s6], [sflag:s13] =	dma.local @!p0 [spmem:s10], $0x200  }
.Ltmp1:
0x26: {  	_ = 	snop;
	(pc) =	sbr.rel @p1 .LBB2_1-.Ltmp1, $4  }
0x27: {  	s13 =	simm.s32 @!p0 $0x1  }
0x28: {  	_ =	swait.ge @!p0 [sflag:s13], $0x200  }
0x29: {  	[sflag:s13] =	ssyncset.done @!p0 $0x0  }
0x2a: {  	[sflag:s13] =	ssyncadd.s32 @!p0 $0xFFFFFE00  }
0x2b: {  	_ =	sfence.sel $0x180000  }
0x2c: {  	[bflag:$0x0] =	sbarrier.arrive $0xFFFF  }
0x2d: {  	_ =	strace $0x90000047  }
0x2e: {  	s0 =	sadd.s32 @!p0 $0x100000, s0;
	[bflag:$0x2] =	sbarrier.arrive $0xFFFF  }
0x2f: {  	[sflag:s0] =	ssyncadd.tile.s32 @!p0 $0x1;
	_ =	shalt  }
.Lfunc_end2:
_tile_overlayer_lowered:
.L_overlay_start_2:
0x30: {  	(tag) =	ssettag $0x2  }
0x31: {  	s0 =	rddreg [dreg:$0x0];
	s2 =	stileid.u32  }
0x32: {  	s1 =	rddreg [dreg:$0x1];
	p0 =	sne.s32 s2, $0x0  }
0x33: {  	s3 =	rddreg [dreg:$0x2];
	[bflag:$0x3] =	sbarrier.arrive $0xFFFF;
	s2 =	simm.s32 @!p0 $0x1C01  }
0x34: {  	[timem:s3], [sflag:s2] =	dma.local @!p0 [hbm:s0], s1  }
0x35: {  	s0 =	simm.s32 @!p0 $0x1  }
0x36: {  	_ =	swait.ge @!p0 [sflag:s0], s1  }
0x37: {  	s1 =	ssub.s32 @!p0 $0x0, s1;
	[sflag:s0] =	ssyncset.done @!p0 $0x0  }
0x38: {  	[sflag:s0] =	ssyncadd.s32 @!p0 s1  }
0x39: {  	[bflag:$0x3] =	sbarrier.arrive $0xFFFF  }
0x3a: {  	_ =	shalt  }

</sc_bundles>
